<compile_context>
chip_gen: v7x
topology: tpu7x:2x2x1
jax: 0.10.2.dev20260603
libtpu: 0.0.44.dev20260713+nightly
codegen_flags: <defaults>
</compile_context>

<pallas_src>
import functools
import math

import jax
import jax.numpy as jnp
from jax import lax
from jax.experimental import pallas as pl
from jax.experimental.pallas import tpu as pltpu
from jax.experimental.pallas import tpu_sc as plsc

S = 64.0
M1 = 1.0
M2 = 0.5
M3 = 0.0
ALPHA = 0.1

_KR = 500
_NEG = -3.0e38


def _acos(x):
    return jnp.arctan2(jnp.sqrt(jnp.maximum((1.0 - x) * (1.0 + x), 0.0)), x)


def _pass_a_body(C, CB, labels_ref, x_ref, out_ref, vals_ref, accmax, acccos):
    j = pl.program_id(0)
    x = x_ref[...]
    out_ref[...] = x * S
    lbl = labels_ref[0, :, 0, :]
    safe = jnp.where(lbl == -1, 0, lbl)
    cls = (lax.broadcasted_iota(jnp.int32, (_KR, 8, 8, 128), 0) + j * _KR) * 8 \
        + lax.broadcasted_iota(jnp.int32, (_KR, 8, 8, 128), 2)
    is_lbl = cls == safe[None, :, None, :]
    invalid = cls >= C
    mx = jnp.max(jnp.where(is_lbl | invalid, _NEG, x), axis=(0, 2))
    cs = jnp.max(jnp.where(is_lbl, x, _NEG), axis=(0, 2))

    @pl.when(j == 0)
    def _():
        accmax[...] = mx
        acccos[...] = cs

    @pl.when(j > 0)
    def _():
        accmax[...] = jnp.maximum(accmax[...], mx)
        acccos[...] = jnp.maximum(acccos[...], cs)

    @pl.when(j == CB - 1)
    def _():
        cos_y = acccos[...]
        max_o = accmax[...]
        ty = _acos(jnp.clip(cos_y, -1.0, 1.0))
        tm = _acos(jnp.clip(max_o, -1.0, 1.0))
        h = jnp.clip(jnp.float32(math.pi / 2) - (tm - ty),
                     0.0, jnp.float32(math.pi / 3))
        m_i = M2 + ALPHA * h
        phi = jnp.cos(M1 * ty + m_i) - M3
        fin = jnp.where(phi < cos_y, phi, cos_y)
        vals_ref[...] = jnp.where(lbl == -1, cos_y, fin) * S


def _make_pass_a(RT, C, interpret=False):
    CB = (RT + _KR - 1) // _KR
    return pl.pallas_call(
        functools.partial(_pass_a_body, C, CB),
        grid=(CB,),
        in_specs=[
            pl.BlockSpec((1, 8, 1, 128), lambda j: (0, 0, 0, 0)),
            pl.BlockSpec((_KR, 8, 8, 128), lambda j: (j, 0, 0, 0)),
        ],
        out_specs=[
            pl.BlockSpec((_KR, 8, 8, 128), lambda j: (j, 0, 0, 0)),
            pl.BlockSpec((8, 128), lambda j: (0, 0)),
        ],
        out_shape=[
            jax.ShapeDtypeStruct((RT, 8, 8, 128), jnp.float32),
            jax.ShapeDtypeStruct((8, 128), jnp.float32),
        ],
        scratch_shapes=[
            pltpu.VMEM((8, 128), jnp.float32),
            pltpu.VMEM((8, 128), jnp.float32),
        ],
        compiler_params=pltpu.CompilerParams(
            dimension_semantics=("arbitrary",),
            vmem_limit_bytes=100 * 1024 * 1024,
        ),
        interpret=interpret,
    )


def _make_sc_scatter(B):
    info = plsc.get_sparse_core_info()
    NC, NS = info.num_cores, info.num_subcores
    nw = NC * NS
    per_w = B // nw
    mesh = plsc.VectorSubcoreMesh(core_axis_name="c", subcore_axis_name="s")

    @functools.partial(
        pl.kernel,
        mesh=mesh,
        out_type=(),
        scratch_types=[
            pltpu.VMEM((per_w,), jnp.int32),
            pltpu.VMEM((per_w,), jnp.float32),
            pltpu.SemaphoreType.DMA,
        ],
    )
    def scatter(out_hbm, vals_hbm, idx_hbm, idx_v, vals_v, sem):
        wid = lax.axis_index("s") * NC + lax.axis_index("c")
        base = wid * per_w
        pltpu.sync_copy(idx_hbm.at[pl.ds(base, per_w)], idx_v)
        pltpu.sync_copy(vals_hbm.at[pl.ds(base, per_w)], vals_v)
        pltpu.async_copy(vals_v, out_hbm.at[idx_v], sem).wait()

    return scatter


def kernel(logits, labels):
    B, C = logits.shape
    RT = C // 8
    x4 = logits.T.reshape(RT, 8, B // 128, 128).transpose(0, 2, 1, 3)
    lbl4 = labels.reshape(1, B // 128, 1, 128)
    out4, vals2 = _make_pass_a(RT, C)(lbl4, x4)
    vals = vals2.reshape(B)

    safe = jnp.where(labels == -1, 0, labels)
    b = jnp.arange(B, dtype=jnp.int32)
    idx = (safe // 8) * (B * 8) + (b // 128) * 1024 + (safe % 8) * 128 + (b % 128)
    out_ref = jax.new_ref(out4.reshape(RT * 8 * B))
    _make_sc_scatter(B)(out_ref, vals, idx)
    return out_ref[...].reshape(RT, B // 128, 8, 128).transpose(0, 2, 1, 3).reshape(C, B).T

# --- scband reference (transcript-rebuilt; emitter-appended) ---
"""Pipeline reference for scband-combined-dynamic-margin-loss-arc-4526895529994 (READ-ONLY COPY).

The authoritative reference and input builder live on the scoring server;
editing this copy changes nothing except your own understanding.
"""

import jax, jax.numpy as jnp
import numpy as np
import math

S = 64.0
M1 = 1.0
M2 = 0.5
M3 = 0.0
ALPHA = 0.1


def setup_inputs(seed: int = 0) -> dict:
    key = jax.random.key(seed)
    k1, k2 = jax.random.split(key)
    logits = jax.random.uniform(k1, (1024, 100000), dtype=jnp.float32, minval=-1.0, maxval=1.0)
    labels = jax.random.randint(k2, (1024,), 0, 100000, dtype=jnp.int32)
    return {"logits": logits, "labels": labels}


def reference(logits, labels):
    B, C = logits.shape
    rows = jnp.arange(B)
    pos_mask = labels != -1
    safe_labels = jnp.where(pos_mask, labels, 0)
    # cos_y = logits[index_positive, pos_labels]
    cos_y = logits[rows, safe_labels]
    # logits_clone with target column masked out, then row-wise max of the rest
    logits_clone = logits.at[rows, safe_labels].set(-1000000000.0)
    max_other = jnp.max(logits_clone, axis=1)
    theta_y = jnp.arccos(jnp.clip(cos_y, -1.0, 1.0))
    theta_max = jnp.arccos(jnp.clip(max_other, -1.0, 1.0))
    delta_theta = theta_max - theta_y
    h = jnp.clip(math.pi / 2 - delta_theta, 0.0, math.pi / 3)
    m_i = M2 + ALPHA * h
    phi_y = jnp.cos(M1 * theta_y + m_i) - M3
    final_phi = jnp.where(phi_y < cos_y, phi_y, cos_y)
    # only rows with label != -1 get the margin-adjusted value; others keep original
    new_vals = jnp.where(pos_mask, final_phi, cos_y)
    adjusted = logits.at[rows, safe_labels].set(new_vals)
    return adjusted * S

if __name__ == "__main__":
    import jax
    _d = setup_inputs()
    print(jax.jit(kernel)(*tuple(_d.values())))

</pallas_src>

<mosaic_0001>
#map = affine_map<(d0, d1) -> (0)>
module attributes {stable_mosaic.version = 14 : i64} {
  func.func @new_body(%arg0: i32, %arg1: i32, %arg2: memref<102400000xf32, #tpu.memory_space<hbm>>, %arg3: memref<1024xf32, #tpu.memory_space<hbm>>, %arg4: memref<1024xi32, #tpu.memory_space<hbm>>, %arg5: memref<102400000xf32, #tpu.memory_space<hbm>>, %arg6: memref<32xi32, #tpu.memory_space<vmem>>, %arg7: memref<32xf32, #tpu.memory_space<vmem>>, %arg8: memref<!tpu.dma_semaphore, #tpu.memory_space<semaphore_mem>>) attributes {dimension_semantics = [#tpu.dimension_semantics<core_parallel>, #tpu.dimension_semantics<subcore_parallel>], iteration_bounds = array<i64: 2, 16>, scalar_prefetch = 0 : i64, scratch_operands = 3 : i64, tpu.core_type = #tpu.core_type<sc_vector_subcore>, window_params = [{transform_indices = #map}, {transform_indices = #map}, {transform_indices = #map}, {transform_indices = #map}]} {
    %mul3A = arith.constant 2 : i32
    %mul3A_0 = arith.muli %arg1, %mul3A : i32
    %add3A = arith.addi %mul3A_0, %arg0 : i32
    %mul3A_1 = arith.constant 32 : i32
    %mul3A_2 = arith.muli %add3A, %mul3A_1 : i32
    "tpu.region"() ({
      %run_scoped3A = tpu.sem_alloc : memref<!tpu.dma_semaphore, #tpu.memory_space<semaphore_mem>>
      %dma_start3A_5 = tpu.memref_slice %arg4[%mul3A_2] : memref<1024xi32, #tpu.memory_space<hbm>> -> memref<32xi32, #tpu.memory_space<hbm>>
      %dma_start3A_6 = tpu.memref_slice %arg4[%mul3A_2] : memref<1024xi32, #tpu.memory_space<hbm>> -> memref<32xi32, #tpu.memory_space<hbm>>
      tpu.enqueue_dma source(%dma_start3A_6 : memref<32xi32, #tpu.memory_space<hbm>>) target(%arg6 : memref<32xi32, #tpu.memory_space<vmem>>) target_semaphore(%run_scoped3A : memref<!tpu.dma_semaphore, #tpu.memory_space<semaphore_mem>>)
      %dma_wait3A_7 = tpu.memref_slice %arg4[%mul3A_2] : memref<1024xi32, #tpu.memory_space<hbm>> -> memref<32xi32, #tpu.memory_space<hbm>>
      %dma_wait3A_8 = tpu.memref_slice %arg4[%mul3A_2] : memref<1024xi32, #tpu.memory_space<hbm>> -> memref<32xi32, #tpu.memory_space<hbm>>
      tpu.wait_dma2 semaphore(%run_scoped3A : memref<!tpu.dma_semaphore, #tpu.memory_space<semaphore_mem>>) src(%dma_wait3A_8 : memref<32xi32, #tpu.memory_space<hbm>>) dst(%arg6 : memref<32xi32, #tpu.memory_space<vmem>>)
      tpu.yield
    }) : () -> ()
    "tpu.region"() ({
      %run_scoped3A = tpu.sem_alloc : memref<!tpu.dma_semaphore, #tpu.memory_space<semaphore_mem>>
      %dma_start3A_5 = tpu.memref_slice %arg3[%mul3A_2] : memref<1024xf32, #tpu.memory_space<hbm>> -> memref<32xf32, #tpu.memory_space<hbm>>
      %dma_start3A_6 = tpu.memref_slice %arg3[%mul3A_2] : memref<1024xf32, #tpu.memory_space<hbm>> -> memref<32xf32, #tpu.memory_space<hbm>>
      tpu.enqueue_dma source(%dma_start3A_6 : memref<32xf32, #tpu.memory_space<hbm>>) target(%arg7 : memref<32xf32, #tpu.memory_space<vmem>>) target_semaphore(%run_scoped3A : memref<!tpu.dma_semaphore, #tpu.memory_space<semaphore_mem>>)
      %dma_wait3A_7 = tpu.memref_slice %arg3[%mul3A_2] : memref<1024xf32, #tpu.memory_space<hbm>> -> memref<32xf32, #tpu.memory_space<hbm>>
      %dma_wait3A_8 = tpu.memref_slice %arg3[%mul3A_2] : memref<1024xf32, #tpu.memory_space<hbm>> -> memref<32xf32, #tpu.memory_space<hbm>>
      tpu.wait_dma2 semaphore(%run_scoped3A : memref<!tpu.dma_semaphore, #tpu.memory_space<semaphore_mem>>) src(%dma_wait3A_8 : memref<32xf32, #tpu.memory_space<hbm>>) dst(%arg7 : memref<32xf32, #tpu.memory_space<vmem>>)
      tpu.yield
    }) : () -> ()
    %dma_start3A = arith.constant 0 : i32
    %dma_start3A_3 = tpu.memref_slice %arg2[%dma_start3A] : memref<102400000xf32, #tpu.memory_space<hbm>> -> memref<102400000xf32, #tpu.memory_space<hbm>>
    tpu.enqueue_indirect_dma source(%arg7 : memref<32xf32, #tpu.memory_space<vmem>>) target(%dma_start3A_3 : memref<102400000xf32, #tpu.memory_space<hbm>>) offsets(%arg6 : memref<32xi32, #tpu.memory_space<vmem>>) semaphore(%arg8 : memref<!tpu.dma_semaphore, #tpu.memory_space<semaphore_mem>>)
    %dma_wait3A = arith.constant 0 : i32
    %dma_wait3A_4 = tpu.memref_slice %arg2[%dma_wait3A] : memref<102400000xf32, #tpu.memory_space<hbm>> -> memref<102400000xf32, #tpu.memory_space<hbm>>
    tpu.wait_indirect_dma semaphore(%arg8 : memref<!tpu.dma_semaphore, #tpu.memory_space<semaphore_mem>>) src(%arg7 : memref<32xf32, #tpu.memory_space<vmem>>) dst(%dma_wait3A_4 : memref<102400000xf32, #tpu.memory_space<hbm>>)
    return
  }
}

module attributes {stable_mosaic.version = 14 : i64} {
  func.func @_pass_a_body(%arg0: i32, %arg1: memref<1x8x1x128xi32, #tpu.memory_space<vmem>>, %arg2: memref<500x8x8x128xf32, #tpu.memory_space<vmem>>, %arg3: memref<500x8x8x128xf32, #tpu.memory_space<vmem>>, %arg4: memref<8x128xf32, #tpu.memory_space<vmem>>, %arg5: memref<8x128xf32, #tpu.memory_space<vmem>>, %arg6: memref<8x128xf32, #tpu.memory_space<vmem>>) attributes {dimension_semantics = [#tpu.dimension_semantics<arbitrary>], iteration_bounds = array<i64: 25>, scalar_prefetch = 0 : i64, scratch_operands = 2 : i64, tpu.core_type = #tpu.core_type<tc>, window_params = [{pipeline_mode = #tpu.pipeline_mode<synchronous>, transform_indices = @transform_0, window_bounds = array<i64: 1, 8, 1, 128>}, {transform_indices = @transform_1, window_bounds = array<i64: 500, 8, 8, 128>}, {transform_indices = @transform_2, window_bounds = array<i64: 500, 8, 8, 128>}, {pipeline_mode = #tpu.pipeline_mode<synchronous>, transform_indices = @transform_3, window_bounds = array<i64: 8, 128>}]} {
    %get3A = arith.constant 0 : index
    %get3A_0 = arith.constant 0 : index
    %get3A_1 = arith.constant 0 : index
    %get3A_2 = arith.constant 0 : index
    %get3A_3 = vector.load %arg2[%get3A, %get3A_0, %get3A_1, %get3A_2] : memref<500x8x8x128xf32, #tpu.memory_space<vmem>>, vector<500x8x8x128xf32>
    %mul3A = arith.constant 6.400000e+01 : f32
    %mul3A_4 = vector.broadcast %mul3A : f32 to vector<500x8x8x128xf32>
    %mul3A_5 = arith.mulf %get3A_3, %mul3A_4 : vector<500x8x8x128xf32>
    %swap3A = arith.constant 0 : index
    %swap3A_6 = arith.constant 0 : index
    %swap3A_7 = arith.constant 0 : index
    %swap3A_8 = arith.constant 0 : index
    %swap3A_9 = vector.load %arg3[%swap3A, %swap3A_6, %swap3A_7, %swap3A_8] : memref<500x8x8x128xf32, #tpu.memory_space<vmem>>, vector<500x8x8x128xf32>
    tpu.vector_store %arg3[%swap3A, %swap3A_6, %swap3A_7, %swap3A_8], %mul3A_5 {strides = array<i32>} : memref<500x8x8x128xf32, #tpu.memory_space<vmem>>, vector<500x8x8x128xf32>,
    %get3A_10 = arith.constant 0 : index
    %get3A_11 = arith.constant 0 : index
    %get3A_12 = arith.constant 0 : index
    %get3A_13 = arith.constant 0 : index
    %get3A_14 = vector.load %arg1[%get3A_10, %get3A_11, %get3A_12, %get3A_13] : memref<1x8x1x128xi32, #tpu.memory_space<vmem>>, vector<1x8x1x128xi32>
    %get3A_15 = vector.shape_cast %get3A_14 : vector<1x8x1x128xi32> to vector<8x128xi32>
    %eq3A = arith.constant -1 : i32
    %eq3A_16 = vector.broadcast %eq3A : i32 to vector<8x128xi32>
    %eq3A_17 = arith.cmpi eq, %get3A_15, %eq3A_16 : vector<8x128xi32>
    %jit3A = arith.constant 0 : i32
    %broadcast_in_dim3A = vector.broadcast %jit3A : i32 to vector<8x128xi32>
    %select_n3A = arith.select %eq3A_17, %broadcast_in_dim3A, %get3A_15 : vector<8x128xi1>, vector<8x128xi32>
    %iota3A = tpu.iota {dimensions = array<i32: 0>} : vector<500x8x8x128xi32>
    %mul3A_18 = arith.constant 500 : i32
    %mul3A_19 = arith.muli %arg0, %mul3A_18 : i32
    %add3A = vector.broadcast %mul3A_19 : i32 to vector<500x8x8x128xi32>
    %add3A_20 = arith.addi %iota3A, %add3A : vector<500x8x8x128xi32>
    %mul3A_21 = arith.constant 8 : i32
    %mul3A_22 = vector.broadcast %mul3A_21 : i32 to vector<500x8x8x128xi32>
    %mul3A_23 = arith.muli %add3A_20, %mul3A_22 : vector<500x8x8x128xi32>
    %iota3A_24 = tpu.iota {dimensions = array<i32: 2>} : vector<500x8x8x128xi32>
    %add3A_25 = arith.addi %mul3A_23, %iota3A_24 : vector<500x8x8x128xi32>
    %broadcast_in_dim3A_26 = vector.shape_cast %select_n3A : vector<8x128xi32> to vector<1x8x1x128xi32>
    %eq3A_27 = vector.broadcast %broadcast_in_dim3A_26 : vector<1x8x1x128xi32> to vector<500x8x8x128xi32>
    %eq3A_28 = arith.cmpi eq, %add3A_25, %eq3A_27 : vector<500x8x8x128xi32>
    %ge3A = arith.constant 100000 : i32
    %ge3A_29 = vector.broadcast %ge3A : i32 to vector<500x8x8x128xi32>
    %ge3A_30 = arith.cmpi sge, %add3A_25, %ge3A_29 : vector<500x8x8x128xi32>
    %or3A = arith.ori %eq3A_28, %ge3A_30 : vector<500x8x8x128xi1>
    %jit3A_31 = arith.constant -3.000000e+38 : f32
    %broadcast_in_dim3A_32 = vector.broadcast %jit3A_31 : f32 to vector<500x8x8x128xf32>
    %select_n3A_33 = arith.select %or3A, %broadcast_in_dim3A_32, %get3A_3 : vector<500x8x8x128xi1>, vector<500x8x8x128xf32>
    %reduce_max3A = arith.constant dense<0xFF800000> : vector<8x128xf32>
    %reduce_max3A_34 = vector.multi_reduction <maximumf>, %select_n3A_33, %reduce_max3A [0, 2] : vector<500x8x8x128xf32> to vector<8x128xf32>
    %jit3A_35 = arith.constant -3.000000e+38 : f32
    %broadcast_in_dim3A_36 = vector.broadcast %jit3A_35 : f32 to vector<500x8x8x128xf32>
    %select_n3A_37 = arith.select %eq3A_28, %get3A_3, %broadcast_in_dim3A_36 : vector<500x8x8x128xi1>, vector<500x8x8x128xf32>
    %reduce_max3A_38 = arith.constant dense<0xFF800000> : vector<8x128xf32>
    %reduce_max3A_39 = vector.multi_reduction <maximumf>, %select_n3A_37, %reduce_max3A_38 [0, 2] : vector<500x8x8x128xf32> to vector<8x128xf32>
    %eq3A_40 = arith.constant 0 : i32
    %eq3A_41 = arith.cmpi eq, %arg0, %eq3A_40 : i32
    %convert_element_type3A = arith.extui %eq3A_41 : i1 to i32
    %cond3A = arith.constant 0 : i32
    %cond3A_42 = arith.cmpi ne, %convert_element_type3A, %cond3A : i32
    scf.if %cond3A_42 {
      %swap3A_52 = arith.constant 0 : index
      %swap3A_53 = arith.constant 0 : index
      %swap3A_54 = vector.load %arg5[%swap3A_52, %swap3A_53] : memref<8x128xf32, #tpu.memory_space<vmem>>, vector<8x128xf32>
      tpu.vector_store %arg5[%swap3A_52, %swap3A_53], %reduce_max3A_34 {strides = array<i32>} : memref<8x128xf32, #tpu.memory_space<vmem>>, vector<8x128xf32>,
      %swap3A_55 = arith.constant 0 : index
      %swap3A_56 = arith.constant 0 : index
      %swap3A_57 = vector.load %arg6[%swap3A_55, %swap3A_56] : memref<8x128xf32, #tpu.memory_space<vmem>>, vector<8x128xf32>
      tpu.vector_store %arg6[%swap3A_55, %swap3A_56], %reduce_max3A_39 {strides = array<i32>} : memref<8x128xf32, #tpu.memory_space<vmem>>, vector<8x128xf32>,
    } else {
    }
    %gt3A = arith.constant 0 : i32
    %gt3A_43 = arith.cmpi sgt, %arg0, %gt3A : i32
    %convert_element_type3A_44 = arith.extui %gt3A_43 : i1 to i32
    %cond3A_45 = arith.constant 0 : i32
    %cond3A_46 = arith.cmpi ne, %convert_element_type3A_44, %cond3A_45 : i32
    scf.if %cond3A_46 {
      %get3A_52 = arith.constant 0 : index
      %get3A_53 = arith.constant 0 : index
      %get3A_54 = vector.load %arg5[%get3A_52, %get3A_53] : memref<8x128xf32, #tpu.memory_space<vmem>>, vector<8x128xf32>
      %max3A = arith.maximumf %get3A_54, %reduce_max3A_34 : vector<8x128xf32>
      %swap3A_55 = arith.constant 0 : index
      %swap3A_56 = arith.constant 0 : index
      %swap3A_57 = vector.load %arg5[%swap3A_55, %swap3A_56] : memref<8x128xf32, #tpu.memory_space<vmem>>, vector<8x128xf32>
      tpu.vector_store %arg5[%swap3A_55, %swap3A_56], %max3A {strides = array<i32>} : memref<8x128xf32, #tpu.memory_space<vmem>>, vector<8x128xf32>,
      %get3A_58 = arith.constant 0 : index
      %get3A_59 = arith.constant 0 : index
      %get3A_60 = vector.load %arg6[%get3A_58, %get3A_59] : memref<8x128xf32, #tpu.memory_space<vmem>>, vector<8x128xf32>
      %max3A_61 = arith.maximumf %get3A_60, %reduce_max3A_39 : vector<8x128xf32>
      %swap3A_62 = arith.constant 0 : index
      %swap3A_63 = arith.constant 0 : index
      %swap3A_64 = vector.load %arg6[%swap3A_62, %swap3A_63] : memref<8x128xf32, #tpu.memory_space<vmem>>, vector<8x128xf32>
      tpu.vector_store %arg6[%swap3A_62, %swap3A_63], %max3A_61 {strides = array<i32>} : memref<8x128xf32, #tpu.memory_space<vmem>>, vector<8x128xf32>,
    } else {
    }
    %eq3A_47 = arith.constant 24 : i32
    %eq3A_48 = arith.cmpi eq, %arg0, %eq3A_47 : i32
    %convert_element_type3A_49 = arith.extui %eq3A_48 : i1 to i32
    %cond3A_50 = arith.constant 0 : i32
    %cond3A_51 = arith.cmpi ne, %convert_element_type3A_49, %cond3A_50 : i32
    scf.if %cond3A_51 {
      %get3A_52 = arith.constant 0 : index
      %get3A_53 = arith.constant 0 : index
      %get3A_54 = vector.load %arg6[%get3A_52, %get3A_53] : memref<8x128xf32, #tpu.memory_space<vmem>>, vector<8x128xf32>
      %get3A_55 = arith.constant 0 : index
      %get3A_56 = arith.constant 0 : index
      %get3A_57 = vector.load %arg5[%get3A_55, %get3A_56] : memref<8x128xf32, #tpu.memory_space<vmem>>, vector<8x128xf32>
      %jit3A_58 = arith.constant -1.000000e+00 : f32
      %jit3A_59 = arith.constant 1.000000e+00 : f32
      %max3A = vector.broadcast %jit3A_58 : f32 to vector<8x128xf32>
      %max3A_60 = arith.maximumf %max3A, %get3A_54 : vector<8x128xf32>
      %min3A = vector.broadcast %jit3A_59 : f32 to vector<8x128xf32>
      %min3A_61 = arith.minimumf %min3A, %max3A_60 : vector<8x128xf32>
      %sub3A = arith.constant 1.000000e+00 : f32
      %sub3A_62 = vector.broadcast %sub3A : f32 to vector<8x128xf32>
      %sub3A_63 = arith.subf %sub3A_62, %min3A_61 : vector<8x128xf32>
      %add3A_64 = arith.constant 1.000000e+00 : f32
      %add3A_65 = vector.broadcast %add3A_64 : f32 to vector<8x128xf32>
      %add3A_66 = arith.addf %add3A_65, %min3A_61 : vector<8x128xf32>
      %mul3A_67 = arith.mulf %sub3A_63, %add3A_66 : vector<8x128xf32>
      %max3A_68 = arith.constant 0.000000e+00 : f32
      %max3A_69 = vector.broadcast %max3A_68 : f32 to vector<8x128xf32>
      %max3A_70 = arith.maximumf %mul3A_67, %max3A_69 : vector<8x128xf32>
      %sqrt3A = math.sqrt %max3A_70 : vector<8x128xf32>
      %atan23A = math.atan2 %sqrt3A, %min3A_61 : vector<8x128xf32>
      %jit3A_71 = arith.constant -1.000000e+00 : f32
      %jit3A_72 = arith.constant 1.000000e+00 : f32
      %max3A_73 = vector.broadcast %jit3A_71 : f32 to vector<8x128xf32>
      %max3A_74 = arith.maximumf %max3A_73, %get3A_57 : vector<8x128xf32>
      %min3A_75 = vector.broadcast %jit3A_72 : f32 to vector<8x128xf32>
      %min3A_76 = arith.minimumf %min3A_75, %max3A_74 : vector<8x128xf32>
      %sub3A_77 = arith.constant 1.000000e+00 : f32
      %sub3A_78 = vector.broadcast %sub3A_77 : f32 to vector<8x128xf32>
      %sub3A_79 = arith.subf %sub3A_78, %min3A_76 : vector<8x128xf32>
      %add3A_80 = arith.constant 1.000000e+00 : f32
      %add3A_81 = vector.broadcast %add3A_80 : f32 to vector<8x128xf32>
      %add3A_82 = arith.addf %add3A_81, %min3A_76 : vector<8x128xf32>
      %mul3A_83 = arith.mulf %sub3A_79, %add3A_82 : vector<8x128xf32>
      %max3A_84 = arith.constant 0.000000e+00 : f32
      %max3A_85 = vector.broadcast %max3A_84 : f32 to vector<8x128xf32>
      %max3A_86 = arith.maximumf %mul3A_83, %max3A_85 : vector<8x128xf32>
      %sqrt3A_87 = math.sqrt %max3A_86 : vector<8x128xf32>
      %atan23A_88 = math.atan2 %sqrt3A_87, %min3A_76 : vector<8x128xf32>
      %sub3A_89 = arith.subf %atan23A_88, %atan23A : vector<8x128xf32>
      %sub3A_90 = arith.constant 1.57079637 : f32
      %sub3A_91 = vector.broadcast %sub3A_90 : f32 to vector<8x128xf32>
      %sub3A_92 = arith.subf %sub3A_91, %sub3A_89 : vector<8x128xf32>
      %jit3A_93 = arith.constant 0.000000e+00 : f32
      %jit3A_94 = arith.constant 1.04719758 : f32
      %max3A_95 = vector.broadcast %jit3A_93 : f32 to vector<8x128xf32>
      %max3A_96 = arith.maximumf %max3A_95, %sub3A_92 : vector<8x128xf32>
      %min3A_97 = vector.broadcast %jit3A_94 : f32 to vector<8x128xf32>
      %min3A_98 = arith.minimumf %min3A_97, %max3A_96 : vector<8x128xf32>
      %mul3A_99 = arith.constant 1.000000e-01 : f32
      %mul3A_100 = vector.broadcast %mul3A_99 : f32 to vector<8x128xf32>
      %mul3A_101 = arith.mulf %mul3A_100, %min3A_98 : vector<8x128xf32>
      %add3A_102 = arith.constant 5.000000e-01 : f32
      %add3A_103 = vector.broadcast %add3A_102 : f32 to vector<8x128xf32>
      %add3A_104 = arith.addf %add3A_103, %mul3A_101 : vector<8x128xf32>
      %mul3A_105 = arith.constant 1.000000e+00 : f32
      %mul3A_106 = vector.broadcast %mul3A_105 : f32 to vector<8x128xf32>
      %mul3A_107 = arith.mulf %mul3A_106, %atan23A : vector<8x128xf32>
      %add3A_108 = arith.addf %mul3A_107, %add3A_104 : vector<8x128xf32>
      %cos3A = math.cos %add3A_108 : vector<8x128xf32>
      %sub3A_109 = arith.constant 0.000000e+00 : f32
      %sub3A_110 = vector.broadcast %sub3A_109 : f32 to vector<8x128xf32>
      %sub3A_111 = arith.subf %cos3A, %sub3A_110 : vector<8x128xf32>
      %lt3A = arith.cmpf olt, %sub3A_111, %get3A_54 : vector<8x128xf32>
      %select_n3A_112 = arith.select %lt3A, %sub3A_111, %get3A_54 : vector<8x128xi1>, vector<8x128xf32>
      %eq3A_113 = arith.constant -1 : i32
      %eq3A_114 = vector.broadcast %eq3A_113 : i32 to vector<8x128xi32>
      %eq3A_115 = arith.cmpi eq, %get3A_15, %eq3A_114 : vector<8x128xi32>
      %select_n3A_116 = arith.select %eq3A_115, %get3A_54, %select_n3A_112 : vector<8x128xi1>, vector<8x128xf32>
      %mul3A_117 = arith.constant 6.400000e+01 : f32
      %mul3A_118 = vector.broadcast %mul3A_117 : f32 to vector<8x128xf32>
      %mul3A_119 = arith.mulf %select_n3A_116, %mul3A_118 : vector<8x128xf32>
      %swap3A_120 = arith.constant 0 : index
      %swap3A_121 = arith.constant 0 : index
      %swap3A_122 = vector.load %arg4[%swap3A_120, %swap3A_121] : memref<8x128xf32, #tpu.memory_space<vmem>>, vector<8x128xf32>
      tpu.vector_store %arg4[%swap3A_120, %swap3A_121], %mul3A_119 {strides = array<i32>} : memref<8x128xf32, #tpu.memory_space<vmem>>, vector<8x128xf32>,
    } else {
    }
    return
  }
  func.func @transform_0(%arg0: i32) -> (i32, i32, i32, i32) {
    %c0_i32 = arith.constant 0 : i32
    %c0_i32_0 = arith.constant 0 : i32
    %c0_i32_1 = arith.constant 0 : i32
    %c0_i32_2 = arith.constant 0 : i32
    %c0_i32_3 = arith.constant 0 : i32
    return %c0_i32, %c0_i32_0, %c0_i32_1, %c0_i32_2 : i32, i32, i32, i32
  }
  func.func @transform_1(%arg0: i32) -> (i32, i32, i32, i32) {
    %c0_i32 = arith.constant 0 : i32
    %c0_i32_0 = arith.constant 0 : i32
    %c0_i32_1 = arith.constant 0 : i32
    %c0_i32_2 = arith.constant 0 : i32
    return %arg0, %c0_i32, %c0_i32_0, %c0_i32_1 : i32, i32, i32, i32
  }
  func.func @transform_2(%arg0: i32) -> (i32, i32, i32, i32) {
    %c0_i32 = arith.constant 0 : i32
    %c0_i32_0 = arith.constant 0 : i32
    %c0_i32_1 = arith.constant 0 : i32
    %c0_i32_2 = arith.constant 0 : i32
    return %arg0, %c0_i32, %c0_i32_0, %c0_i32_1 : i32, i32, i32, i32
  }
  func.func @transform_3(%arg0: i32) -> (i32, i32) {
    %c0_i32 = arith.constant 0 : i32
    %c0_i32_0 = arith.constant 0 : i32
    %c0_i32_1 = arith.constant 0 : i32
    return %c0_i32, %c0_i32_0 : i32, i32
  }
}

</mosaic_0001>

<sc_bundles>
// kernel: kernel.4.cloned.1.call-start
scs
__scs_entry_jumppad:
0x0: {  	(pc) =	sbr.rel $0x88, $3  }
0x1: {  	(tag) =	ssettag $0x0;
	lr =	simm.s32 $0x1  }
0x2: {  	[smem:$0x3F9F] =	sst lr;
	_ =	strace $0xD0000000  }
0x3: {  	_ = 	snop  }
0x4: {  	_ = 	snop  }
0x5: {  	_ = 	snop  }
0x6: {  	_ = 	snop  }
0x7: {  	_ = 	snop  }
__scs_overlays_trampoline_lowered:
0x8: {  	[smem:$0x3FAE] =	sst s0  }
0x9: {  	[smem:$0x3FAF] =	sst s1  }
0xa: {  	[smem:$0x3FB0] =	sst s2  }
0xb: {  	[smem:$0x3FB1] =	sst s3  }
0xc: {  	[smem:$0x3FB2] =	sst s4  }
0xd: {  	[smem:$0x3FB3] =	sst s5  }
0xe: {  	[smem:$0x3FB4] =	sst s6  }
0xf: {  	[smem:$0x3FB5] =	sst s7  }
0x10: {  	[smem:$0x3FB6] =	sst s8  }
0x11: {  	[smem:$0x3FB7] =	sst s9;
	s0 =	simm.s32 @!p0 $0x0  }
0x12: {  	s1 =	sld [smem:$0x3F9D];
	s0 =	simm.s32 @p0 $0x1  }
0x13: {  	[smem:$0x3FB8] =	sst s0;
	s0 =	simm.s32 @!p1 $0x0  }
0x14: {  	s2 =	sld [smem:$0x3F9C];
	s0 =	simm.s32 @p1 $0x1  }
0x15: {  	[smem:$0x3FB9] =	sst s0;
	s0 =	simm.s32 @!p2 $0x0  }
0x16: {  	s3 =	sld [smem:$0x3FDB];
	s0 =	simm.s32 @p2 $0x1  }
0x17: {  	s4 =	simm.s32 $0x1BF5;
	[smem:$0x3FBB] =	sst s0  }
0x18: {  	s0 =	sld [smem:$0x3F9E];
	_ =	swait.ge [sflag:s4], $0x0  }
0x19: {  	s7 =	sld [smem:$0x3F9F]  }
0x1a: {  	s8 =	sadd.s32 $0xFFFFE003, lr  }
0x1b: {  	s9 =	sadd.s32 $0xFFFFFEF7, lr;
	s5 =	simm.s32 $0xFFFFFFFF;
	p2 =	slt.u32 s8, $0xFFFFF086  }
0x1c: {  	p1 =	slt.u32 s9, $0xF7A;
	s5 =	simm.s32 @!p2 $0x0  }
0x1d: {  	s5 =	simm.s32 @p1 $0x1;
	p0 =	seq.s32 s7, s2  }
0x1e: {  	s7 =	smul.u32 @!p0 $0xF7A, s2;
	p2 =	seq.s32 @!p0 s5, $0x0  }
0x1f: {  	s9 =	smul.u32 $0xF7A, s1;
	s8 =	simm.s32 @!p0 $0x1BF5;
	p2 =	por !p2, p0  }
0x20: {  	[sflag:s8] =	ssyncset.s32 @!p0 $0xFFFFF086;
	s6 =	sadd.s32 @!p0 s3, s7;
	s7 =	simm.s32 @!p0 $0x108  }
0x21: {  	s3 =	sadd.s32 s3, s9;
	s6 =	sadd.s32 @!p0 $0x88, s6;
	s7 =	simm.s32 @p2 $0x1082  }
0x22: {  	[simem:s7], [sflag:s8] =	dma.local @!p0 [hbm:s6], $0xF7A  }
0x23: {  	s9 =	sor.u32 $0xD0000000, s2;
	s6 =	simm.s32 $0x108;
	_ =	swait.ge @!p0 [sflag:s8], $0x0  }
0x24: {  	s3 =	sadd.s32 $0x88, s3;
	s6 =	simm.s32 @!p1 $0x1082;
	[sflag:s4] =	ssyncset.s32 $0xFFFFF086  }
0x25: {  	[simem:s6], [sflag:s4] =	dma.local [hbm:s3], $0xF7A  }
0x26: {  	[smem:$0x3F9F] =	sst s1;
	(tag) =	ssettag s2;
	_ =	strace s9  }
0x27: {  	s1 =	sld [smem:$0x3FAF]  }
0x28: {  	s2 =	sld [smem:$0x3FB0]  }
0x29: {  	s4 =	sld [smem:$0x3FB2]  }
0x2a: {  	p0 =	seq.s32 s5, $0x0;
	s5 =	sld [smem:$0x3FB3]  }
0x2b: {  	s6 =	sld [smem:$0x3FB4]  }
0x2c: {  	s7 =	sld [smem:$0x3FB5]  }
0x2d: {  	s3 =	simm.s32 $0x108;
	s8 =	sld [smem:$0x3FB6]  }
0x2e: {  	s3 =	simm.s32 @!p0 $0x1082;
	s9 =	sld [smem:$0x3FB7]  }
0x2f: {  	lr =	sadd.s32 s0, s3;
	s0 =	sld [smem:$0x3FAE]  }
0x30: {  	s3 =	sld [smem:$0x3FB1]  }
0x31: {  	[smem:$0x3FBA] =	sst s10  }
0x32: {  	s10 =	sld [smem:$0x3FB8];
	_ =	sdelay $0x3  }
0x33: {  	p0 =	seq.s32 s10, $0x1;
	s10 =	sld [smem:$0x3FBA];
	_ =	sdelay $0x3  }
0x34: {  	[smem:$0x3FBA] =	sst s10  }
0x35: {  	s10 =	sld [smem:$0x3FB9];
	_ =	sdelay $0x3  }
0x36: {  	p1 =	seq.s32 s10, $0x1;
	s10 =	sld [smem:$0x3FBA];
	_ =	sdelay $0x3  }
0x37: {  	[smem:$0x3FBA] =	sst s10  }
0x38: {  	s10 =	sld [smem:$0x3FBB]  }
0x39: {  	_ = 	snop;
	(pc) =	sbr.ind lr, $3  }
0x3a: {  	_ = 	snop  }
0x3b: {  	_ = 	snop  }
0x3c: {  	p2 =	seq.s32 s10, $0x1;
	s10 =	sld [smem:$0x3FBA]  }
0x3d: {  	_ =	shalt  }
0x3e: {  	_ =	shalt  }
0x3f: {  	_ =	shalt  }
0x40: {  	_ =	shalt  }
0x41: {  	_ =	shalt  }
0x42: {  	_ =	shalt  }
0x43: {  	_ =	shalt  }
0x44: {  	_ =	shalt  }
0x45: {  	_ =	shalt  }
0x46: {  	_ =	shalt  }
0x47: {  	_ =	shalt  }
0x48: {  	_ =	shalt  }
0x49: {  	_ =	shalt  }
0x4a: {  	_ =	shalt  }
0x4b: {  	_ =	shalt  }
0x4c: {  	_ =	shalt  }
0x4d: {  	_ =	shalt  }
0x4e: {  	_ =	shalt  }
0x4f: {  	_ =	shalt  }
0x50: {  	_ =	shalt  }
0x51: {  	_ =	shalt  }
0x52: {  	_ =	shalt  }
0x53: {  	_ =	shalt  }
0x54: {  	_ =	shalt  }
0x55: {  	_ =	shalt  }
0x56: {  	_ =	shalt  }
0x57: {  	_ =	shalt  }
0x58: {  	_ =	shalt  }
0x59: {  	_ =	shalt  }
0x5a: {  	_ =	shalt  }
0x5b: {  	_ =	shalt  }
0x5c: {  	_ =	shalt  }
0x5d: {  	_ =	shalt  }
0x5e: {  	_ =	shalt  }
0x5f: {  	_ =	shalt  }
0x60: {  	_ =	shalt  }
0x61: {  	_ =	shalt  }
0x62: {  	_ =	shalt  }
0x63: {  	_ =	shalt  }
0x64: {  	_ =	shalt  }
0x65: {  	_ =	shalt  }
0x66: {  	_ =	shalt  }
0x67: {  	_ =	shalt  }
0x68: {  	_ =	shalt  }
0x69: {  	_ =	shalt  }
0x6a: {  	_ =	shalt  }
0x6b: {  	_ =	shalt  }
0x6c: {  	_ =	shalt  }
0x6d: {  	_ =	shalt  }
0x6e: {  	_ =	shalt  }
0x6f: {  	_ =	shalt  }
0x70: {  	_ =	shalt  }
0x71: {  	_ =	shalt  }
0x72: {  	_ =	shalt  }
0x73: {  	_ =	shalt  }
0x74: {  	_ =	shalt  }
0x75: {  	_ =	shalt  }
0x76: {  	_ =	shalt  }
0x77: {  	_ =	shalt  }
0x78: {  	_ =	shalt  }
0x79: {  	_ =	shalt  }
0x7a: {  	_ =	shalt  }
0x7b: {  	_ =	shalt  }
0x7c: {  	_ =	shalt  }
0x7d: {  	_ =	shalt  }
0x7e: {  	_ =	shalt  }
0x7f: {  	_ =	shalt  }
0x80: {  	_ =	shalt  }
0x81: {  	_ =	shalt  }
0x82: {  	_ =	shalt  }
0x83: {  	_ =	shalt  }
0x84: {  	_ =	shalt  }
0x85: {  	_ =	shalt  }
0x86: {  	_ =	shalt  }
0x87: {  	_ =	shalt  }
.Lfunc_end0:
.L_simem_size_0:
called_computation_lowered:
.L_overlay_start_0:
0x88: {  	s2 =	sld [smem:$0x3FD9]  }
0x89: {  	s3 =	sld [smem:$0x3FFE];
	_ =	sdelay $0x1  }
0x8a: {  	s1 =	srdreg.scid  }
0x8b: {  	s0 =	sand.u32 $0x1, s1  }
0x8c: {  	s17 =	sshll.u32 s0, $0xA;
	s2 =	sadd.s32 s3, s2  }
0x8d: {  	s2 =	sadd.s32 s2, s17  }
0x8e: {  	[smem:$0x3FC6] =	sst s2  }
0x8f: {  	_ = 	snop  }
0x90: {  	s2 =	sld [smem:$0x3FD0];
	(tm) =	ssettm $0x1  }
0x91: {  	s18 =	sld [smem:$0x3FFB];
	_ =	sdelay $0x3  }
0x92: {  	_ =	strace s18  }
0x93: {  	s3 =	sld [smem:$0x3FFC];
	_ =	sdelay $0x3  }
0x94: {  	_ =	strace s3  }
0x95: {  	s3 =	sld [smem:$0x3FFD];
	_ =	sdelay $0x3  }
0x96: {  	_ =	strace s3  }
0x97: {  	_ =	strace $0x8FFFFFFF  }
0x98: {  	s19 =	sld [smem:$0x3FDB];
	_ =	sdelay $0x1  }
0x99: {  	s4 =	simm.s32 $_scs_section_size  }
0x9a: {  	s5 =	simm.s32 $_size__tile_overlayer_lowered;
	s6 =	simm.s32 $_tile_overlayer_lowered  }
0x9b: {  	s22 =	simm.s32 $0x1BFF;
	s21 =	sshll.u32 s6, $0x1;
	s3 =	sadd.s32 s4, s19  }
0x9c: {  	s7 =	simm.s32 $0x0;
	s20 =	sshll.u32 s5, $0x1;
	s5 =	sadd.s32 s21, s3  }
0x9d: {  	[timem:s7], [sflag:s22] =	dma.local [hbm:s5], s20  }
0x9e: {  	_ =	swait.ge [sflag:s22], s20  }
0x9f: {  	s4 =	ssub.s32 $0x0, s20;
	[sflag:s22] =	ssyncset.done $0x0  }
0xa0: {  	[sflag:s22] =	ssyncadd.s32 s4;
	_ =	sdelay $0x1  }
0xa1: {  	s23 =	simm.s32 $0x1B8B  }
0xa2: {  	_ =	swait.ge [sflag:s23], $0x1  }
0xa3: {  	[sflag:s23] =	ssyncset.done $0x0  }
0xa4: {  	s25 =	simm.s32 $0x1B8E;
	s24 =	sld [smem:$0x3FFE];
	[sflag:s23] =	ssyncadd.s32 $0xFFFFFFFF  }
0xa5: {  	s26 =	simm.s32 $execute0_lowered;
	[smem:$0x3FD2] =	sst s25  }
0xa6: {  	s5 =	sshll.u32 s26, $0x1;
	_ =	strace $0x80000046;
	[dreg:$0x1] =	wrdreg $0xFFFFFFFF  }
0xa7: {  	s28 =	simm.s32 $_size_execute0_lowered;
	s3 =	sadd.s32 s3, s5;
	[dreg:$0x0] =	wrdreg $0x0  }
0xa8: {  	s5 =	sshll.u32 s28, $0x1;
	[dreg:$0x2] =	wrdreg s3  }
0xa9: {  	[dreg:$0x3] =	wrdreg s5  }
0xaa: {  	[dreg:$0x4] =	wrdreg $0xC0  }
0xab: {  	_ =	task [dreg:s7], $0x5FFFF  }
0xac: {  	[dreg:$0x1] =	wrdreg $0xFFFFFFFF  }
0xad: {  	[dreg:$0x0] =	wrdreg $0x60  }
0xae: {  	[dreg:$0x2] =	wrdreg s2  }
0xaf: {  	[dreg:$0x3] =	wrdreg s24  }
0xb0: {  	[dreg:$0x4] =	wrdreg $0x9  }
0xb1: {  	_ =	task.clear_ibuf [dreg:s7], $0x5FFFF;
	_ =	strace $0x90000046  }
0xb2: {  	s29 =	simm.s32 $0x9;
	_ =	strace $0x80000048  }
0xb3: {  	_ =	swait.ge [sflag:s29], $0x1  }
0xb4: {  	[sflag:s29] =	ssyncadd.s32 $0xFFFFFFFF  }
0xb5: {  	_ =	strace $0x90000048  }
0xb6: {  	_ =	sfence  }
0xb7: {  	s30 =	sld [smem:$0x0];
	_ =	sdelay $0x2  }
0xb8: {  	s31 =	sshll.u32 s1, $0xD;
	s1 =	sshrl.u32 s1, $0x2  }
0xb9: {  	s3 =	sand.u32 $0x4000, s31;
	s1 =	sadd.s32 s1, s30  }
0xba: {  	s0 =	sor.u32 s3, s0;
	s1 =	sshll.u32 s1, $0x11  }
0xbb: {  	s0 =	sor.u32 s1, s0  }
0xbc: {  	s0 =	sadd.s32 $0x8F2B, s0  }
0xbd: {  	[sflag:s0] =	ssyncadd.remote.s32 $0x1  }
0xbe: {  	_ =	sfence.sel $0xFFFF  }
0xbf: {  	[dreg:$0x0] =	wrdreg $0xFFFFFFFF;
	(pc) =	sbr.abs _section_cstart, $3  }
0xc0: {  	[dreg:$0x1] =	wrdreg $0xFFFFFFFF  }
0xc1: {  	_ =	task.clear_ibuf [dreg:s7], $0x2FFFF;
	_ =	strace $0x9FFFFFFF  }
0xc2: {  	(tm) =	ssettm $0x7FFFFFFF  }
0xc3: {  	_ =	shalt  }
tec
execute0_lowered:
.L_overlay_start_1:
0x0: {  	(tag) =	ssettag $0x1  }
0x1: {  	s1 =	srdreg.scid;
	s2 =	rddreg [dreg:$0x0]  }
0x2: {  	s0 =	stileid.u32;
	s4 =	rddreg [dreg:$0x1];
	s6 =	sand.u32 $0x1, s1  }
0x3: {  	s3 =	simm.s32 $0x0;
	s5 =	sshll.u32 s0, $0x3;
	s7 =	sshll.u32 s6, $0x2  }
0x4: {  	[smem:$0x7FF] =	sst s3;
	s5 =	sor.u32 s7, s5  }
0x5: {  	s1 =	rddreg [dreg:$0x2];
	_ =	strace $0x80000047;
	s7 =	sadd.s32 s5, s4  }
0x6: {  	s8 =	ssub.s32 $0x2, s6;
	s5 =	simm.s32 $0x2;
	s4 =	sadd.s32 $0x600, s7  }
0x7: {  	[tilespmem:s3], [sflag:$0x2] =	stream.linear.gather [hbm4b:s4+s3], $0x20, $0x38;
	[tilespmem:$0x100] =	vst v63  }
0x8: {  	s9 =	sshrl.u32 s8, $0x1;
	_ =	swait.ge [sflag:s5], $0x20  }
0x9: {  	s8 =	ssub.s32 s8, s9;
	s6 =	sadd.s32 $0x800, s7;
	[sflag:s5] =	ssyncset.done $0x0  }
0xa: {  	s7 =	simm.s32 $0x80;
	s10 =	smax.u32 s8, $0x1;
	[sflag:s5] =	ssyncadd.s32 $0xFFFFFFE0  }
0xb: {  	[tilespmem:s7], [sflag:$0x2] =	stream.linear.gather [hbm4b:s6+s3], $0x20, $0x38;
	[tilespmem:$0x100] =	vst v63  }
0xc: {  	p0 =	sne.s32 s10, $0x1;
	_ =	swait.ge [sflag:s5], $0x20  }
.Ltmp0:
0xd: {  	[sflag:s5] =	ssyncset.done $0x0;
	(pc) =	sbr.rel @!p0 .LBB2_2-.Ltmp0, $4  }
0xe: {  	s9 =	simm.s32 $0x20;
	s8 =	simm.s32 $0x1;
	[sflag:s5] =	ssyncadd.s32 $0xFFFFFFE0  }
0xf: {  	[hbm4b:s2+s9] =	stream.indirect.scatter [tilespmem:s7], [sflag:$0x1], $0x1, s3, s9, $0xb8;
	[tilespmem:$0x100] =	vst v63  }
0x10: {  	_ =	swait.ge [sflag:s8], $0x20  }
0x11: {  	s10 =	sadd.s32 $0xFFFFFFFF, s10;
	[sflag:s8] =	ssyncset.done $0x0  }
.LBB2_1:
0x12: {  	p0 =	sne.s32 s10, $0x1;
	s10 =	sadd.s32 $0xFFFFFFFF, s10;
	[sflag:s8] =	ssyncadd.s32 $0xFFFFFFE0  }
0x13: {  	[tilespmem:s3], [sflag:$0x2] =	stream.linear.gather [hbm4b:s4+s3], $0x20, $0x38;
	[tilespmem:$0x100] =	vst v63  }
0x14: {  	_ =	swait.ge [sflag:s5], $0x20  }
0x15: {  	[sflag:s5] =	ssyncset.done $0x0  }
0x16: {  	[sflag:s5] =	ssyncadd.s32 $0xFFFFFFE0  }
0x17: {  	[tilespmem:s7], [sflag:$0x2] =	stream.linear.gather [hbm4b:s6+s3], $0x20, $0x38;
	[tilespmem:$0x100] =	vst v63  }
0x18: {  	_ =	swait.ge [sflag:s5], $0x20  }
.Ltmp1:
0x19: {  	[sflag:s5] =	ssyncset.done $0x0;
	(pc) =	sbr.rel @p0 .LBB2_1-.Ltmp1, $4  }
0x1a: {  	[sflag:s5] =	ssyncadd.s32 $0xFFFFFFE0  }
0x1b: {  	[hbm4b:s2+s9] =	stream.indirect.scatter [tilespmem:s7], [sflag:$0x1], $0x1, s3, s9, $0xb8;
	[tilespmem:$0x100] =	vst v63  }
0x1c: {  	_ =	swait.ge [sflag:s8], $0x20  }
0x1d: {  	[sflag:s8] =	ssyncset.done $0x0  }
.LBB2_2:
0x1e: {  	[sflag:s8] =	ssyncadd.s32 $0xFFFFFFE0  }
0x1f: {  	_ =	sfence.sel $0x180000  }
0x20: {  	[bflag:$0x0] =	sbarrier.arrive $0xFFFF  }
0x21: {  	p0 =	sne.s32 s0, $0x0;
	_ =	strace $0x90000047  }
0x22: {  	s0 =	sadd.s32 @!p0 $0x100000, s1;
	[bflag:$0x2] =	sbarrier.arrive $0xFFFF  }
0x23: {  	[sflag:s0] =	ssyncadd.tile.s32 @!p0 $0x1;
	_ =	shalt  }
.Lfunc_end2:
_tile_overlayer_lowered:
.L_overlay_start_2:
0x24: {  	(tag) =	ssettag $0x2  }
0x25: {  	s0 =	rddreg [dreg:$0x0];
	s2 =	stileid.u32  }
0x26: {  	s1 =	rddreg [dreg:$0x1];
	p0 =	sne.s32 s2, $0x0  }
0x27: {  	s3 =	rddreg [dreg:$0x2];
	[bflag:$0x3] =	sbarrier.arrive $0xFFFF;
	s2 =	simm.s32 @!p0 $0x1C02  }
0x28: {  	[timem:s3], [sflag:s2] =	dma.local @!p0 [hbm:s0], s1  }
0x29: {  	s0 =	simm.s32 @!p0 $0x2  }
0x2a: {  	_ =	swait.ge @!p0 [sflag:s0], s1  }
0x2b: {  	s1 =	ssub.s32 @!p0 $0x0, s1;
	[sflag:s0] =	ssyncset.done @!p0 $0x0  }
0x2c: {  	[sflag:s0] =	ssyncadd.s32 @!p0 s1  }
0x2d: {  	[bflag:$0x3] =	sbarrier.arrive $0xFFFF  }
0x2e: {  	_ =	shalt  }

</sc_bundles>
